<compile_context>
chip_gen: v7x
topology: tpu7x:2x2x1
jax: 0.10.2.dev20260603
libtpu: 0.0.44.dev20260713+nightly
codegen_flags: <defaults>
</compile_context>

<pallas_src>
import functools

import jax
import jax.numpy as jnp
from jax import lax
from jax.experimental import pallas as pl
from jax.experimental.pallas import tpu as pltpu
from jax.experimental.pallas import tpu_sc as plsc

K_CODES = 8192
D = 256
N_B = 4096
N_NORMAL = 32

BM = 512
BK = 2048
GB = N_B // BM
GK = K_CODES // BK

_EPS = 1e-12


_LOG2E = 1.4426950408889634


def _vq_main_body(z_ref, lab_ref, w_ref, zz_ref, ww_ref, msk_ref,
                  idx_ref, cls_ref,
                  cb_ref, num_s, den_s, bin_s, best_s, bi_s, nb_s,
                  acc_s, acc2_s):
    i = pl.program_id(0)
    k = pl.program_id(1)

    z = z_ref[...]
    w = w_ref[...]
    zz = zz_ref[...]
    ww = ww_ref[0]
    dot2 = lax.dot_general(z * -2.0, w, (((1,), (1,)), ((), ())),
                           preferred_element_type=jnp.float32)
    d2 = jnp.maximum((zz + ww) + dot2, 0.0)
    dist = jnp.sqrt(d2)

    c = jnp.sqrt(zz)
    e = jnp.exp2((c - dist) * _LOG2E)
    esum = jnp.sum(e, axis=1, keepdims=True)
    den_s[...] = jnp.where(k == 0, esum, den_s[...] + esum)

    lanef = lax.broadcasted_iota(jnp.int32, (BM, BK), 1).astype(jnp.float32)

    distm = dist + msk_ref[0]
    cmin = jnp.min(distm, axis=1, keepdims=True)
    cand = jnp.where(distm == cmin, lanef, float(K_CODES))
    cidx = jnp.min(cand, axis=1, keepdims=True).astype(jnp.int32) + k * BK
    better = jnp.logical_or(k == 0, cmin < best_s[...])
    bi_s[...] = jnp.where(better, cidx, bi_s[...])
    best_s[...] = jnp.where(better, cmin, best_s[...])

    @pl.when(k == 0)
    def _init():
        lane128 = lax.broadcasted_iota(jnp.int32, (BM, 128), 1).astype(jnp.float32)
        nmd = jnp.where(lane128 < N_NORMAL, dist[:, :128], jnp.inf)
        nmin = jnp.min(nmd, axis=1, keepdims=True)
        nb_s[...] = nmin
        ncand = jnp.where(nmd == nmin, lane128, float(K_CODES))
        bin_s[...] = jnp.min(ncand, axis=1, keepdims=True).astype(jnp.int32)
        num_s[...] = jnp.sum(jnp.where(lane128 < N_NORMAL, e[:, :128], 0.0),
                             axis=1, keepdims=True)

    @pl.when(k == GK - 1)
    def _finish():
        lab = lab_ref[...]
        merged = jnp.where(lab == 0, bin_s[...], bi_s[...])
        idx_ref[...] = merged.reshape(1, BM // 128, 128)
        p = num_s[...] / den_s[...]
        p = jnp.clip(p, _EPS, 1.0 - _EPS)
        t = jnp.where(lab == 0, 1.0, 0.0)
        row_loss = -(t * jnp.log(p) + (1.0 - t) * jnp.log(1.0 - p))
        part = jnp.sum(row_loss, axis=0, keepdims=True)
        acc = jnp.where(i == 0, jnp.zeros_like(part), acc_s[...]) + part
        acc_s[...] = acc
        bd = jnp.where(lab == 0, nb_s[...], best_s[...])
        part2 = jnp.sum(bd * bd, axis=0, keepdims=True)
        acc2 = jnp.where(i == 0, jnp.zeros_like(part2), acc2_s[...]) + part2
        acc2_s[...] = acc2

        @pl.when(i == GB - 1)
        def _emit():
            cls_ref[...] = acc / N_B
            cb_ref[...] = acc2 / (N_B * D)


def _sc_gather(codebook, indices):
    nw = 32
    b_per_w = N_B // nw
    mesh = plsc.VectorSubcoreMesh(core_axis_name="c", subcore_axis_name="s")

    @functools.partial(
        pl.kernel, mesh=mesh,
        out_type=jax.ShapeDtypeStruct((N_B, D), jnp.float32),
        scratch_types=[
            pltpu.VMEM((b_per_w,), jnp.int32),
            pltpu.VMEM((b_per_w, D), jnp.float32),
            pltpu.SemaphoreType.DMA,
        ],
    )
    def gather_k(table_hbm, idx_hbm, out_hbm, idx_v, rows_v, sem):
        wid = lax.axis_index("s") * 2 + lax.axis_index("c")
        base = wid * b_per_w
        pltpu.sync_copy(idx_hbm.at[pl.ds(base, b_per_w)], idx_v)
        pltpu.async_copy(table_hbm.at[idx_v], rows_v, sem).wait()
        pltpu.sync_copy(rows_v, out_hbm.at[pl.ds(base, b_per_w)])

    return gather_k(codebook, indices)


def _main_call(z_e, lab2, codebook, z2, w2, msk):
    return pl.pallas_call(
        _vq_main_body,
        grid=(GB, GK),
        in_specs=[
            pl.BlockSpec((BM, D), lambda i, k: (i, 0)),
            pl.BlockSpec((BM, 1), lambda i, k: (i, 0)),
            pl.BlockSpec((BK, D), lambda i, k: (k, 0)),
            pl.BlockSpec((BM, 1), lambda i, k: (i, 0)),
            pl.BlockSpec((1, 1, BK), lambda i, k: (k, 0, 0)),
            pl.BlockSpec((1, 1, BK), lambda i, k: (k, 0, 0)),
        ],
        out_specs=[
            pl.BlockSpec((1, BM // 128, 128), lambda i, k: (i, 0, 0)),
            pl.BlockSpec((1, 1), lambda i, k: (0, 0)),
            pl.BlockSpec((1, 1), lambda i, k: (0, 0)),
        ],
        out_shape=[
            jax.ShapeDtypeStruct((GB, BM // 128, 128), jnp.int32),
            jax.ShapeDtypeStruct((1, 1), jnp.float32),
            jax.ShapeDtypeStruct((1, 1), jnp.float32),
        ],
        scratch_shapes=[
            pltpu.VMEM((BM, 1), jnp.float32),
            pltpu.VMEM((BM, 1), jnp.float32),
            pltpu.VMEM((BM, 1), jnp.int32),
            pltpu.VMEM((BM, 1), jnp.float32),
            pltpu.VMEM((BM, 1), jnp.int32),
            pltpu.VMEM((BM, 1), jnp.float32),
            pltpu.VMEM((1, 1), jnp.float32),
            pltpu.VMEM((1, 1), jnp.float32),
        ],
        compiler_params=pltpu.CompilerParams(
            dimension_semantics=("arbitrary", "arbitrary")),
    )(z_e, lab2, codebook, z2, w2, msk)


def kernel(z_e, labels, codebook):
    lab2 = labels.reshape(N_B, 1)
    z2 = jnp.sum(z_e * z_e, axis=1, keepdims=True)
    w2 = jnp.sum(codebook * codebook, axis=1).reshape(GK, 1, BK)
    msk = jnp.where(jnp.arange(K_CODES).reshape(GK, 1, BK) < N_NORMAL,
                    jnp.inf, 0.0).astype(jnp.float32)
    idx2, cls2, cb2 = _main_call(z_e, lab2, codebook, z2, w2, msk)
    indices = idx2.reshape(N_B)
    z_q_st = _sc_gather(codebook, indices)
    cb_loss = cb2[0, 0]
    return (z_q_st, indices, cb_loss, cb_loss, cls2[0, 0])

# --- scband reference (transcript-rebuilt; emitter-appended) ---
"""Pipeline reference for scband-vector-quantizer-7275674600257 (READ-ONLY COPY).

The authoritative reference and input builder live on the scoring server;
editing this copy changes nothing except your own understanding.
"""

import jax, jax.numpy as jnp
import numpy as np

NUM_CODES = 8192
EMBED_DIM = 256
B = 4096
NORMAL_IDS = np.arange(32)


def setup_inputs(seed: int = 0) -> dict:
    key = jax.random.key(seed)
    k1, k2, k3 = jax.random.split(key, 3)
    z_e = jax.random.normal(k1, (B, EMBED_DIM), dtype=jnp.float32)
    labels = jax.random.randint(k2, (B,), 0, 2, dtype=jnp.int32)
    codebook = jax.random.uniform(k3, (NUM_CODES, EMBED_DIM), minval=-1.0 / NUM_CODES, maxval=1.0 / NUM_CODES, dtype=jnp.float32)
    return {"z_e": z_e, "labels": labels, "codebook": codebook}


def reference(z_e, labels, codebook):
    normal_mask = jnp.zeros((NUM_CODES,), dtype=bool).at[jnp.asarray(NORMAL_IDS)].set(True)
    # torch.cdist (p=2) via the expanded quadratic form
    z2 = jnp.sum(z_e * z_e, axis=1, keepdims=True)            # (B, 1)
    w2 = jnp.sum(codebook * codebook, axis=1)[None, :]        # (1, K)
    d2 = jnp.maximum(z2 + w2 - 2.0 * (z_e @ codebook.T), 0.0)
    distances = jnp.sqrt(d2)                                   # (B, K)
    # class-conditional routing loss
    logits = -distances
    probs = jax.nn.softmax(logits, axis=1)
    p_normal = jnp.sum(jnp.where(normal_mask[None, :], probs, 0.0), axis=1)
    target_normal = (labels == 0).astype(jnp.float32)
    eps = 1e-12
    p = jnp.clip(p_normal, eps, 1.0 - eps)
    cls_loss = -jnp.mean(target_normal * jnp.log(p) + (1.0 - target_normal) * jnp.log(1.0 - p))
    # masked nearest-neighbor assignment: normal inputs -> normal codes, abnormal -> abnormal codes
    label_is_normal = (labels == 0)[:, None]                   # (B, 1)
    allowed = jnp.where(label_is_normal, normal_mask[None, :], ~normal_mask[None, :])
    distances_masked = jnp.where(allowed, distances, jnp.inf)
    indices = jnp.argmin(distances_masked, axis=1)
    z_q = jnp.take(codebook, indices, axis=0)
    codebook_loss = jnp.mean((jax.lax.stop_gradient(z_e) - z_q) ** 2)
    commitment_loss = jnp.mean((z_e - jax.lax.stop_gradient(z_q)) ** 2)
    z_q_st = z_e + jax.lax.stop_gradient(z_q - z_e)
    return (z_q_st, indices, codebook_loss, commitment_loss, cls_loss)

if __name__ == "__main__":
    import jax
    _d = setup_inputs()
    print(jax.jit(kernel)(*tuple(_d.values())))

</pallas_src>

<mosaic_0001>
#map = affine_map<(d0, d1) -> (0, 0)>
#map1 = affine_map<(d0, d1) -> (0)>
module attributes {stable_mosaic.version = 14 : i64} {
  func.func @gather_k(%arg0: i32, %arg1: i32, %arg2: memref<8192x256xf32, #tpu.memory_space<hbm>>, %arg3: memref<4096xi32, #tpu.memory_space<hbm>>, %arg4: memref<4096x256xf32, #tpu.memory_space<hbm>>, %arg5: memref<128xi32, #tpu.memory_space<vmem>>, %arg6: memref<128x256xf32, #tpu.memory_space<vmem>>, %arg7: memref<!tpu.dma_semaphore, #tpu.memory_space<semaphore_mem>>) attributes {dimension_semantics = [#tpu.dimension_semantics<core_parallel>, #tpu.dimension_semantics<subcore_parallel>], iteration_bounds = array<i64: 2, 16>, scalar_prefetch = 0 : i64, scratch_operands = 3 : i64, tpu.core_type = #tpu.core_type<sc_vector_subcore>, window_params = [{transform_indices = #map}, {transform_indices = #map1}, {transform_indices = #map}]} {
    %mul3A = arith.constant 2 : i32
    %mul3A_0 = arith.muli %arg1, %mul3A : i32
    %add3A = arith.addi %mul3A_0, %arg0 : i32
    %mul3A_1 = arith.constant 128 : i32
    %mul3A_2 = arith.muli %add3A, %mul3A_1 : i32
    "tpu.region"() ({
      %run_scoped3A = tpu.sem_alloc : memref<!tpu.dma_semaphore, #tpu.memory_space<semaphore_mem>>
      %dma_start3A_7 = tpu.memref_slice %arg3[%mul3A_2] : memref<4096xi32, #tpu.memory_space<hbm>> -> memref<128xi32, #tpu.memory_space<hbm>>
      %dma_start3A_8 = tpu.memref_slice %arg3[%mul3A_2] : memref<4096xi32, #tpu.memory_space<hbm>> -> memref<128xi32, #tpu.memory_space<hbm>>
      tpu.enqueue_dma source(%dma_start3A_8 : memref<128xi32, #tpu.memory_space<hbm>>) target(%arg5 : memref<128xi32, #tpu.memory_space<vmem>>) target_semaphore(%run_scoped3A : memref<!tpu.dma_semaphore, #tpu.memory_space<semaphore_mem>>)
      %dma_wait3A_9 = tpu.memref_slice %arg3[%mul3A_2] : memref<4096xi32, #tpu.memory_space<hbm>> -> memref<128xi32, #tpu.memory_space<hbm>>
      %dma_wait3A_10 = tpu.memref_slice %arg3[%mul3A_2] : memref<4096xi32, #tpu.memory_space<hbm>> -> memref<128xi32, #tpu.memory_space<hbm>>
      tpu.wait_dma2 semaphore(%run_scoped3A : memref<!tpu.dma_semaphore, #tpu.memory_space<semaphore_mem>>) src(%dma_wait3A_10 : memref<128xi32, #tpu.memory_space<hbm>>) dst(%arg5 : memref<128xi32, #tpu.memory_space<vmem>>)
      tpu.yield
    }) : () -> ()
    %dma_start3A = arith.constant 0 : i32
    %dma_start3A_3 = arith.constant 0 : i32
    %dma_start3A_4 = tpu.memref_slice %arg2[%dma_start3A, %dma_start3A_3] : memref<8192x256xf32, #tpu.memory_space<hbm>> -> memref<8192x256xf32, #tpu.memory_space<hbm>>
    tpu.enqueue_indirect_dma source(%dma_start3A_4 : memref<8192x256xf32, #tpu.memory_space<hbm>>) target(%arg6 : memref<128x256xf32, #tpu.memory_space<vmem>>) offsets(%arg5 : memref<128xi32, #tpu.memory_space<vmem>>) semaphore(%arg7 : memref<!tpu.dma_semaphore, #tpu.memory_space<semaphore_mem>>)
    %dma_wait3A = arith.constant 0 : i32
    %dma_wait3A_5 = arith.constant 0 : i32
    %dma_wait3A_6 = tpu.memref_slice %arg2[%dma_wait3A, %dma_wait3A_5] : memref<8192x256xf32, #tpu.memory_space<hbm>> -> memref<8192x256xf32, #tpu.memory_space<hbm>>
    tpu.wait_indirect_dma semaphore(%arg7 : memref<!tpu.dma_semaphore, #tpu.memory_space<semaphore_mem>>) src(%dma_wait3A_6 : memref<8192x256xf32, #tpu.memory_space<hbm>>) dst(%arg6 : memref<128x256xf32, #tpu.memory_space<vmem>>)
    "tpu.region"() ({
      %run_scoped3A = tpu.sem_alloc : memref<!tpu.dma_semaphore, #tpu.memory_space<semaphore_mem>>
      %dma_start3A_7 = arith.constant 0 : i32
      %dma_start3A_8 = tpu.memref_slice %arg4[%mul3A_2, %dma_start3A_7] : memref<4096x256xf32, #tpu.memory_space<hbm>> -> memref<128x256xf32, #tpu.memory_space<hbm>>
      %dma_start3A_9 = arith.constant 0 : i32
      %dma_start3A_10 = tpu.memref_slice %arg4[%mul3A_2, %dma_start3A_9] : memref<4096x256xf32, #tpu.memory_space<hbm>> -> memref<128x256xf32, #tpu.memory_space<hbm>>
      tpu.enqueue_dma source(%arg6 : memref<128x256xf32, #tpu.memory_space<vmem>>) target(%dma_start3A_10 : memref<128x256xf32, #tpu.memory_space<hbm>>) target_semaphore(%run_scoped3A : memref<!tpu.dma_semaphore, #tpu.memory_space<semaphore_mem>>)
      %dma_wait3A_11 = arith.constant 0 : i32
      %dma_wait3A_12 = tpu.memref_slice %arg4[%mul3A_2, %dma_wait3A_11] : memref<4096x256xf32, #tpu.memory_space<hbm>> -> memref<128x256xf32, #tpu.memory_space<hbm>>
      %dma_wait3A_13 = arith.constant 0 : i32
      %dma_wait3A_14 = tpu.memref_slice %arg4[%mul3A_2, %dma_wait3A_13] : memref<4096x256xf32, #tpu.memory_space<hbm>> -> memref<128x256xf32, #tpu.memory_space<hbm>>
      tpu.wait_dma2 semaphore(%run_scoped3A : memref<!tpu.dma_semaphore, #tpu.memory_space<semaphore_mem>>) src(%arg6 : memref<128x256xf32, #tpu.memory_space<vmem>>) dst(%dma_wait3A_14 : memref<128x256xf32, #tpu.memory_space<hbm>>)
      tpu.yield
    }) : () -> ()
    return
  }
}

module attributes {stable_mosaic.version = 14 : i64} {
  func.func @_vq_main_body(%arg0: i32, %arg1: i32, %arg2: memref<512x256xf32, #tpu.memory_space<vmem>>, %arg3: memref<512x1xi32, #tpu.memory_space<vmem>>, %arg4: memref<2048x256xf32, #tpu.memory_space<vmem>>, %arg5: memref<512x1xf32, #tpu.memory_space<vmem>>, %arg6: memref<1x1x2048xf32, #tpu.memory_space<vmem>>, %arg7: memref<1x1x2048xf32, #tpu.memory_space<vmem>>, %arg8: memref<1x4x128xi32, #tpu.memory_space<vmem>>, %arg9: memref<1x1xf32, #tpu.memory_space<vmem>>, %arg10: memref<1x1xf32, #tpu.memory_space<vmem>>, %arg11: memref<512x1xf32, #tpu.memory_space<vmem>>, %arg12: memref<512x1xf32, #tpu.memory_space<vmem>>, %arg13: memref<512x1xi32, #tpu.memory_space<vmem>>, %arg14: memref<512x1xf32, #tpu.memory_space<vmem>>, %arg15: memref<512x1xi32, #tpu.memory_space<vmem>>, %arg16: memref<512x1xf32, #tpu.memory_space<vmem>>, %arg17: memref<1x1xf32, #tpu.memory_space<vmem>>, %arg18: memref<1x1xf32, #tpu.memory_space<vmem>>) attributes {dimension_semantics = [#tpu.dimension_semantics<arbitrary>, #tpu.dimension_semantics<arbitrary>], iteration_bounds = array<i64: 8, 4>, scalar_prefetch = 0 : i64, scratch_operands = 8 : i64, tpu.core_type = #tpu.core_type<tc>, window_params = [{transform_indices = @transform_0, window_bounds = array<i64: 512, 256>}, {transform_indices = @transform_1, window_bounds = array<i64: 512, 1>}, {transform_indices = @transform_2, window_bounds = array<i64: 2048, 256>}, {transform_indices = @transform_3, window_bounds = array<i64: 512, 1>}, {transform_indices = @transform_4, window_bounds = array<i64: 1, 1, 2048>}, {transform_indices = @transform_5, window_bounds = array<i64: 1, 1, 2048>}, {transform_indices = @transform_6, window_bounds = array<i64: 1, 4, 128>}, {pipeline_mode = #tpu.pipeline_mode<synchronous>, transform_indices = @transform_7, window_bounds = array<i64: 1, 1>}, {pipeline_mode = #tpu.pipeline_mode<synchronous>, transform_indices = @transform_8, window_bounds = array<i64: 1, 1>}]} {
    %get3A = arith.constant 0 : index
    %get3A_0 = arith.constant 0 : index
    %get3A_1 = vector.load %arg2[%get3A, %get3A_0] : memref<512x256xf32, #tpu.memory_space<vmem>>, vector<512x256xf32>
    %get3A_2 = arith.constant 0 : index
    %get3A_3 = arith.constant 0 : index
    %get3A_4 = vector.load %arg4[%get3A_2, %get3A_3] : memref<2048x256xf32, #tpu.memory_space<vmem>>, vector<2048x256xf32>
    %get3A_5 = arith.constant 0 : index
    %get3A_6 = arith.constant 0 : index
    %get3A_7 = vector.load %arg5[%get3A_5, %get3A_6] : memref<512x1xf32, #tpu.memory_space<vmem>>, vector<512x1xf32>
    %get3A_8 = arith.constant 0 : index
    %get3A_9 = arith.constant 0 : index
    %get3A_10 = arith.constant 0 : index
    %get3A_11 = vector.load %arg6[%get3A_8, %get3A_9, %get3A_10] : memref<1x1x2048xf32, #tpu.memory_space<vmem>>, vector<1x1x2048xf32>
    %get3A_12 = vector.shape_cast %get3A_11 : vector<1x1x2048xf32> to vector<1x2048xf32>
    %mul3A = arith.constant -2.000000e+00 : f32
    %mul3A_13 = vector.broadcast %mul3A : f32 to vector<512x256xf32>
    %mul3A_14 = arith.mulf %get3A_1, %mul3A_13 : vector<512x256xf32>
    %dot_general3A = arith.constant dense<0.000000e+00> : vector<512x2048xf32>
    %dot_general3A_15 = tpu.matmul %mul3A_14, %get3A_4, %dot_general3A {dimension_numbers = #tpu.dot_dimension_numbers<[1], [1], [0], [0], [0, 0, 1, 0], [], []>, transpose_lhs_hint = false} : vector<512x256xf32>, vector<2048x256xf32>, vector<512x2048xf32> -> vector<512x2048xf32>
    %add3A = vector.broadcast %get3A_7 : vector<512x1xf32> to vector<512x2048xf32>
    %add3A_16 = vector.broadcast %get3A_12 : vector<1x2048xf32> to vector<512x2048xf32>
    %add3A_17 = arith.addf %add3A, %add3A_16 : vector<512x2048xf32>
    %add3A_18 = arith.addf %add3A_17, %dot_general3A_15 : vector<512x2048xf32>
    %max3A = arith.constant 0.000000e+00 : f32
    %max3A_19 = vector.broadcast %max3A : f32 to vector<512x2048xf32>
    %max3A_20 = arith.maximumf %add3A_18, %max3A_19 : vector<512x2048xf32>
    %sqrt3A = math.sqrt %max3A_20 : vector<512x2048xf32>
    %sqrt3A_21 = math.sqrt %get3A_7 : vector<512x1xf32>
    %sub3A = vector.broadcast %sqrt3A_21 : vector<512x1xf32> to vector<512x2048xf32>
    %sub3A_22 = arith.subf %sub3A, %sqrt3A : vector<512x2048xf32>
    %mul3A_23 = arith.constant 1.44269502 : f32
    %mul3A_24 = vector.broadcast %mul3A_23 : f32 to vector<512x2048xf32>
    %mul3A_25 = arith.mulf %sub3A_22, %mul3A_24 : vector<512x2048xf32>
    %exp23A = math.exp2 %mul3A_25 : vector<512x2048xf32>
    %reduce_sum3A = arith.constant dense<0.000000e+00> : vector<512xf32>
    %reduce_sum3A_26 = vector.multi_reduction <add>, %exp23A, %reduce_sum3A [1] : vector<512x2048xf32> to vector<512xf32>
    %broadcast_in_dim3A = vector.shape_cast %reduce_sum3A_26 : vector<512xf32> to vector<512x1xf32>
    %eq3A = arith.constant 0 : i32
    %eq3A_27 = arith.cmpi eq, %arg1, %eq3A : i32
    %get3A_28 = arith.constant 0 : index
    %get3A_29 = arith.constant 0 : index
    %get3A_30 = vector.load %arg12[%get3A_28, %get3A_29] : memref<512x1xf32, #tpu.memory_space<vmem>>, vector<512x1xf32>
    %add3A_31 = arith.addf %get3A_30, %broadcast_in_dim3A : vector<512x1xf32>
    %select_n3A = arith.select %eq3A_27, %broadcast_in_dim3A, %add3A_31 : vector<512x1xf32>
    %swap3A = arith.constant 0 : index
    %swap3A_32 = arith.constant 0 : index
    %swap3A_33 = vector.load %arg12[%swap3A, %swap3A_32] : memref<512x1xf32, #tpu.memory_space<vmem>>, vector<512x1xf32>
    tpu.vector_store %arg12[%swap3A, %swap3A_32], %select_n3A {strides = array<i32>} : memref<512x1xf32, #tpu.memory_space<vmem>>, vector<512x1xf32>,
    %iota3A = tpu.iota {dimensions = array<i32: 1>} : vector<512x2048xi32>
    %convert_element_type3A = arith.sitofp %iota3A : vector<512x2048xi32> to vector<512x2048xf32>
    %get3A_34 = arith.constant 0 : index
    %get3A_35 = arith.constant 0 : index
    %get3A_36 = arith.constant 0 : index
    %get3A_37 = vector.load %arg7[%get3A_34, %get3A_35, %get3A_36] : memref<1x1x2048xf32, #tpu.memory_space<vmem>>, vector<1x1x2048xf32>
    %get3A_38 = vector.shape_cast %get3A_37 : vector<1x1x2048xf32> to vector<1x2048xf32>
    %add3A_39 = vector.broadcast %get3A_38 : vector<1x2048xf32> to vector<512x2048xf32>
    %add3A_40 = arith.addf %sqrt3A, %add3A_39 : vector<512x2048xf32>
    %reduce_min3A = arith.constant dense<0x7F800000> : vector<512xf32>
    %reduce_min3A_41 = vector.multi_reduction <minimumf>, %add3A_40, %reduce_min3A [1] : vector<512x2048xf32> to vector<512xf32>
    %broadcast_in_dim3A_42 = vector.shape_cast %reduce_min3A_41 : vector<512xf32> to vector<512x1xf32>
    %eq3A_43 = vector.broadcast %broadcast_in_dim3A_42 : vector<512x1xf32> to vector<512x2048xf32>
    %eq3A_44 = arith.cmpf oeq, %add3A_40, %eq3A_43 : vector<512x2048xf32>
    %jit3A = arith.constant 8.192000e+03 : f32
    %broadcast_in_dim3A_45 = vector.broadcast %jit3A : f32 to vector<512x2048xf32>
    %select_n3A_46 = arith.select %eq3A_44, %convert_element_type3A, %broadcast_in_dim3A_45 : vector<512x2048xi1>, vector<512x2048xf32>
    %reduce_min3A_47 = arith.constant dense<0x7F800000> : vector<512xf32>
    %reduce_min3A_48 = vector.multi_reduction <minimumf>, %select_n3A_46, %reduce_min3A_47 [1] : vector<512x2048xf32> to vector<512xf32>
    %broadcast_in_dim3A_49 = vector.shape_cast %reduce_min3A_48 : vector<512xf32> to vector<512x1xf32>
    %convert_element_type3A_50 = arith.fptosi %broadcast_in_dim3A_49 : vector<512x1xf32> to vector<512x1xi32>
    %mul3A_51 = arith.constant 2048 : i32
    %mul3A_52 = arith.muli %arg1, %mul3A_51 : i32
    %add3A_53 = vector.broadcast %mul3A_52 : i32 to vector<512x1xi32>
    %add3A_54 = arith.addi %convert_element_type3A_50, %add3A_53 : vector<512x1xi32>
    %eq3A_55 = arith.constant 0 : i32
    %eq3A_56 = arith.cmpi eq, %arg1, %eq3A_55 : i32
    %get3A_57 = arith.constant 0 : index
    %get3A_58 = arith.constant 0 : index
    %get3A_59 = vector.load %arg14[%get3A_57, %get3A_58] : memref<512x1xf32, #tpu.memory_space<vmem>>, vector<512x1xf32>
    %lt3A = arith.cmpf olt, %broadcast_in_dim3A_42, %get3A_59 : vector<512x1xf32>
    %or3A = vector.broadcast %eq3A_56 : i1 to vector<512x1xi1>
    %or3A_60 = arith.ori %or3A, %lt3A : vector<512x1xi1>
    %get3A_61 = arith.constant 0 : index
    %get3A_62 = arith.constant 0 : index
    %get3A_63 = vector.load %arg15[%get3A_61, %get3A_62] : memref<512x1xi32, #tpu.memory_space<vmem>>, vector<512x1xi32>
    %select_n3A_64 = arith.select %or3A_60, %add3A_54, %get3A_63 : vector<512x1xi1>, vector<512x1xi32>
    %swap3A_65 = arith.constant 0 : index
    %swap3A_66 = arith.constant 0 : index
    %swap3A_67 = vector.load %arg15[%swap3A_65, %swap3A_66] : memref<512x1xi32, #tpu.memory_space<vmem>>, vector<512x1xi32>
    tpu.vector_store %arg15[%swap3A_65, %swap3A_66], %select_n3A_64 {strides = array<i32>} : memref<512x1xi32, #tpu.memory_space<vmem>>, vector<512x1xi32>,
    %get3A_68 = arith.constant 0 : index
    %get3A_69 = arith.constant 0 : index
    %get3A_70 = vector.load %arg14[%get3A_68, %get3A_69] : memref<512x1xf32, #tpu.memory_space<vmem>>, vector<512x1xf32>
    %select_n3A_71 = arith.select %or3A_60, %broadcast_in_dim3A_42, %get3A_70 : vector<512x1xi1>, vector<512x1xf32>
    %swap3A_72 = arith.constant 0 : index
    %swap3A_73 = arith.constant 0 : index
    %swap3A_74 = vector.load %arg14[%swap3A_72, %swap3A_73] : memref<512x1xf32, #tpu.memory_space<vmem>>, vector<512x1xf32>
    tpu.vector_store %arg14[%swap3A_72, %swap3A_73], %select_n3A_71 {strides = array<i32>} : memref<512x1xf32, #tpu.memory_space<vmem>>, vector<512x1xf32>,
    %eq3A_75 = arith.constant 0 : i32
    %eq3A_76 = arith.cmpi eq, %arg1, %eq3A_75 : i32
    %convert_element_type3A_77 = arith.extui %eq3A_76 : i1 to i32
    %cond3A = arith.constant 0 : i32
    %cond3A_78 = arith.cmpi ne, %convert_element_type3A_77, %cond3A : i32
    scf.if %cond3A_78 {
      %iota3A_84 = tpu.iota {dimensions = array<i32: 1>} : vector<512x128xi32>
      %convert_element_type3A_85 = arith.sitofp %iota3A_84 : vector<512x128xi32> to vector<512x128xf32>
      %lt3A_86 = arith.constant 3.200000e+01 : f32
      %lt3A_87 = vector.broadcast %lt3A_86 : f32 to vector<512x128xf32>
      %lt3A_88 = arith.cmpf olt, %convert_element_type3A_85, %lt3A_87 : vector<512x128xf32>
      %slice3A = vector.extract_strided_slice %sqrt3A {offsets = [0, 0], sizes = [512, 128], strides = [1, 1]} : vector<512x2048xf32> to vector<512x128xf32>
      %jit3A_89 = arith.constant 0x7F800000 : f32
      %broadcast_in_dim3A_90 = vector.broadcast %jit3A_89 : f32 to vector<512x128xf32>
      %select_n3A_91 = arith.select %lt3A_88, %slice3A, %broadcast_in_dim3A_90 : vector<512x128xi1>, vector<512x128xf32>
      %reduce_min3A_92 = arith.constant dense<0x7F800000> : vector<512xf32>
      %reduce_min3A_93 = vector.multi_reduction <minimumf>, %select_n3A_91, %reduce_min3A_92 [1] : vector<512x128xf32> to vector<512xf32>
      %broadcast_in_dim3A_94 = vector.shape_cast %reduce_min3A_93 : vector<512xf32> to vector<512x1xf32>
      %swap3A_95 = arith.constant 0 : index
      %swap3A_96 = arith.constant 0 : index
      %swap3A_97 = vector.load %arg16[%swap3A_95, %swap3A_96] : memref<512x1xf32, #tpu.memory_space<vmem>>, vector<512x1xf32>
      tpu.vector_store %arg16[%swap3A_95, %swap3A_96], %broadcast_in_dim3A_94 {strides = array<i32>} : memref<512x1xf32, #tpu.memory_space<vmem>>, vector<512x1xf32>,
      %eq3A_98 = vector.broadcast %broadcast_in_dim3A_94 : vector<512x1xf32> to vector<512x128xf32>
      %eq3A_99 = arith.cmpf oeq, %select_n3A_91, %eq3A_98 : vector<512x128xf32>
      %jit3A_100 = arith.constant 8.192000e+03 : f32
      %broadcast_in_dim3A_101 = vector.broadcast %jit3A_100 : f32 to vector<512x128xf32>
      %select_n3A_102 = arith.select %eq3A_99, %convert_element_type3A_85, %broadcast_in_dim3A_101 : vector<512x128xi1>, vector<512x128xf32>
      %reduce_min3A_103 = arith.constant dense<0x7F800000> : vector<512xf32>
      %reduce_min3A_104 = vector.multi_reduction <minimumf>, %select_n3A_102, %reduce_min3A_103 [1] : vector<512x128xf32> to vector<512xf32>
      %broadcast_in_dim3A_105 = vector.shape_cast %reduce_min3A_104 : vector<512xf32> to vector<512x1xf32>
      %convert_element_type3A_106 = arith.fptosi %broadcast_in_dim3A_105 : vector<512x1xf32> to vector<512x1xi32>
      %swap3A_107 = arith.constant 0 : index
      %swap3A_108 = arith.constant 0 : index
      %swap3A_109 = vector.load %arg13[%swap3A_107, %swap3A_108] : memref<512x1xi32, #tpu.memory_space<vmem>>, vector<512x1xi32>
      tpu.vector_store %arg13[%swap3A_107, %swap3A_108], %convert_element_type3A_106 {strides = array<i32>} : memref<512x1xi32, #tpu.memory_space<vmem>>, vector<512x1xi32>,
      %lt3A_110 = arith.constant 3.200000e+01 : f32
      %lt3A_111 = vector.broadcast %lt3A_110 : f32 to vector<512x128xf32>
      %lt3A_112 = arith.cmpf olt, %convert_element_type3A_85, %lt3A_111 : vector<512x128xf32>
      %slice3A_113 = vector.extract_strided_slice %exp23A {offsets = [0, 0], sizes = [512, 128], strides = [1, 1]} : vector<512x2048xf32> to vector<512x128xf32>
      %jit3A_114 = arith.constant 0.000000e+00 : f32
      %broadcast_in_dim3A_115 = vector.broadcast %jit3A_114 : f32 to vector<512x128xf32>
      %select_n3A_116 = arith.select %lt3A_112, %slice3A_113, %broadcast_in_dim3A_115 : vector<512x128xi1>, vector<512x128xf32>
      %reduce_sum3A_117 = arith.constant dense<0.000000e+00> : vector<512xf32>
      %reduce_sum3A_118 = vector.multi_reduction <add>, %select_n3A_116, %reduce_sum3A_117 [1] : vector<512x128xf32> to vector<512xf32>
      %broadcast_in_dim3A_119 = vector.shape_cast %reduce_sum3A_118 : vector<512xf32> to vector<512x1xf32>
      %swap3A_120 = arith.constant 0 : index
      %swap3A_121 = arith.constant 0 : index
      %swap3A_122 = vector.load %arg11[%swap3A_120, %swap3A_121] : memref<512x1xf32, #tpu.memory_space<vmem>>, vector<512x1xf32>
      tpu.vector_store %arg11[%swap3A_120, %swap3A_121], %broadcast_in_dim3A_119 {strides = array<i32>} : memref<512x1xf32, #tpu.memory_space<vmem>>, vector<512x1xf32>,
    } else {
    }
    %eq3A_79 = arith.constant 3 : i32
    %eq3A_80 = arith.cmpi eq, %arg1, %eq3A_79 : i32
    %convert_element_type3A_81 = arith.extui %eq3A_80 : i1 to i32
    %cond3A_82 = arith.constant 0 : i32
    %cond3A_83 = arith.cmpi ne, %convert_element_type3A_81, %cond3A_82 : i32
    scf.if %cond3A_83 {
      %get3A_84 = arith.constant 0 : index
      %get3A_85 = arith.constant 0 : index
      %get3A_86 = vector.load %arg3[%get3A_84, %get3A_85] : memref<512x1xi32, #tpu.memory_space<vmem>>, vector<512x1xi32>
      %eq3A_87 = arith.constant 0 : i32
      %eq3A_88 = vector.broadcast %eq3A_87 : i32 to vector<512x1xi32>
      %eq3A_89 = arith.cmpi eq, %get3A_86, %eq3A_88 : vector<512x1xi32>
      %get3A_90 = arith.constant 0 : index
      %get3A_91 = arith.constant 0 : index
      %get3A_92 = vector.load %arg13[%get3A_90, %get3A_91] : memref<512x1xi32, #tpu.memory_space<vmem>>, vector<512x1xi32>
      %get3A_93 = arith.constant 0 : index
      %get3A_94 = arith.constant 0 : index
      %get3A_95 = vector.load %arg15[%get3A_93, %get3A_94] : memref<512x1xi32, #tpu.memory_space<vmem>>, vector<512x1xi32>
      %select_n3A_96 = arith.select %eq3A_89, %get3A_92, %get3A_95 : vector<512x1xi1>, vector<512x1xi32>
      %reshape3A = vector.shape_cast %select_n3A_96 : vector<512x1xi32> to vector<1x4x128xi32>
      %swap3A_97 = arith.constant 0 : index
      %swap3A_98 = arith.constant 0 : index
      %swap3A_99 = arith.constant 0 : index
      %swap3A_100 = vector.load %arg8[%swap3A_97, %swap3A_98, %swap3A_99] : memref<1x4x128xi32, #tpu.memory_space<vmem>>, vector<1x4x128xi32>
      tpu.vector_store %arg8[%swap3A_97, %swap3A_98, %swap3A_99], %reshape3A {strides = array<i32>} : memref<1x4x128xi32, #tpu.memory_space<vmem>>, vector<1x4x128xi32>,
      %get3A_101 = arith.constant 0 : index
      %get3A_102 = arith.constant 0 : index
      %get3A_103 = vector.load %arg11[%get3A_101, %get3A_102] : memref<512x1xf32, #tpu.memory_space<vmem>>, vector<512x1xf32>
      %get3A_104 = arith.constant 0 : index
      %get3A_105 = arith.constant 0 : index
      %get3A_106 = vector.load %arg12[%get3A_104, %get3A_105] : memref<512x1xf32, #tpu.memory_space<vmem>>, vector<512x1xf32>
      %div3A = arith.divf %get3A_103, %get3A_106 : vector<512x1xf32>
      %jit3A_107 = arith.constant 9.99999996E-13 : f32
      %jit3A_108 = arith.constant 1.000000e+00 : f32
      %max3A_109 = vector.broadcast %jit3A_107 : f32 to vector<512x1xf32>
      %max3A_110 = arith.maximumf %max3A_109, %div3A : vector<512x1xf32>
      %min3A = vector.broadcast %jit3A_108 : f32 to vector<512x1xf32>
      %min3A_111 = arith.minimumf %min3A, %max3A_110 : vector<512x1xf32>
      %eq3A_112 = arith.constant 0 : i32
      %eq3A_113 = vector.broadcast %eq3A_112 : i32 to vector<512x1xi32>
      %eq3A_114 = arith.cmpi eq, %get3A_86, %eq3A_113 : vector<512x1xi32>
      %jit3A_115 = arith.constant 1.000000e+00 : f32
      %jit3A_116 = arith.constant 0.000000e+00 : f32
      %broadcast_in_dim3A_117 = vector.broadcast %jit3A_115 : f32 to vector<512x1xf32>
      %broadcast_in_dim3A_118 = vector.broadcast %jit3A_116 : f32 to vector<512x1xf32>
      %select_n3A_119 = arith.select %eq3A_114, %broadcast_in_dim3A_117, %broadcast_in_dim3A_118 : vector<512x1xi1>, vector<512x1xf32>
      %log3A = math.log %min3A_111 : vector<512x1xf32>
      %mul3A_120 = arith.mulf %select_n3A_119, %log3A : vector<512x1xf32>
      %sub3A_121 = arith.constant 1.000000e+00 : f32
      %sub3A_122 = vector.broadcast %sub3A_121 : f32 to vector<512x1xf32>
      %sub3A_123 = arith.subf %sub3A_122, %select_n3A_119 : vector<512x1xf32>
      %sub3A_124 = arith.constant 1.000000e+00 : f32
      %sub3A_125 = vector.broadcast %sub3A_124 : f32 to vector<512x1xf32>
      %sub3A_126 = arith.subf %sub3A_125, %min3A_111 : vector<512x1xf32>
      %log3A_127 = math.log %sub3A_126 : vector<512x1xf32>
      %mul3A_128 = arith.mulf %sub3A_123, %log3A_127 : vector<512x1xf32>
      %add3A_129 = arith.addf %mul3A_120, %mul3A_128 : vector<512x1xf32>
      %neg3A = arith.constant 0.000000e+00 : f32
      %neg3A_130 = vector.broadcast %neg3A : f32 to vector<512x1xf32>
      %neg3A_131 = arith.subf %neg3A_130, %add3A_129 : vector<512x1xf32>
      %reduce_sum3A_132 = arith.constant dense<0.000000e+00> : vector<1xf32>
      %reduce_sum3A_133 = vector.multi_reduction <add>, %neg3A_131, %reduce_sum3A_132 [0] : vector<512x1xf32> to vector<1xf32>
      %broadcast_in_dim3A_134 = vector.shape_cast %reduce_sum3A_133 : vector<1xf32> to vector<1x1xf32>
      %eq3A_135 = arith.constant 0 : i32
      %eq3A_136 = arith.cmpi eq, %arg0, %eq3A_135 : i32
      %broadcast_in_dim3A_137 = arith.constant 0.000000e+00 : f32
      %broadcast_in_dim3A_138 = vector.broadcast %broadcast_in_dim3A_137 : f32 to vector<1x1xf32>
      %get3A_139 = arith.constant 0 : index
      %get3A_140 = arith.constant 0 : index
      %get3A_141 = vector.load %arg17[%get3A_139, %get3A_140] : memref<1x1xf32, #tpu.memory_space<vmem>>, vector<1x1xf32>
      %select_n3A_142 = arith.select %eq3A_136, %broadcast_in_dim3A_138, %get3A_141 : vector<1x1xf32>
      %add3A_143 = arith.addf %select_n3A_142, %broadcast_in_dim3A_134 : vector<1x1xf32>
      %swap3A_144 = arith.constant 0 : index
      %swap3A_145 = arith.constant 0 : index
      %swap3A_146 = vector.load %arg17[%swap3A_144, %swap3A_145] : memref<1x1xf32, #tpu.memory_space<vmem>>, vector<1x1xf32>
      tpu.vector_store %arg17[%swap3A_144, %swap3A_145], %add3A_143 {strides = array<i32>} : memref<1x1xf32, #tpu.memory_space<vmem>>, vector<1x1xf32>,
      %eq3A_147 = arith.constant 0 : i32
      %eq3A_148 = vector.broadcast %eq3A_147 : i32 to vector<512x1xi32>
      %eq3A_149 = arith.cmpi eq, %get3A_86, %eq3A_148 : vector<512x1xi32>
      %get3A_150 = arith.constant 0 : index
      %get3A_151 = arith.constant 0 : index
      %get3A_152 = vector.load %arg16[%get3A_150, %get3A_151] : memref<512x1xf32, #tpu.memory_space<vmem>>, vector<512x1xf32>
      %get3A_153 = arith.constant 0 : index
      %get3A_154 = arith.constant 0 : index
      %get3A_155 = vector.load %arg14[%get3A_153, %get3A_154] : memref<512x1xf32, #tpu.memory_space<vmem>>, vector<512x1xf32>
      %select_n3A_156 = arith.select %eq3A_149, %get3A_152, %get3A_155 : vector<512x1xi1>, vector<512x1xf32>
      %mul3A_157 = arith.mulf %select_n3A_156, %select_n3A_156 : vector<512x1xf32>
      %reduce_sum3A_158 = arith.constant dense<0.000000e+00> : vector<1xf32>
      %reduce_sum3A_159 = vector.multi_reduction <add>, %mul3A_157, %reduce_sum3A_158 [0] : vector<512x1xf32> to vector<1xf32>
      %broadcast_in_dim3A_160 = vector.shape_cast %reduce_sum3A_159 : vector<1xf32> to vector<1x1xf32>
      %eq3A_161 = arith.constant 0 : i32
      %eq3A_162 = arith.cmpi eq, %arg0, %eq3A_161 : i32
      %broadcast_in_dim3A_163 = arith.constant 0.000000e+00 : f32
      %broadcast_in_dim3A_164 = vector.broadcast %broadcast_in_dim3A_163 : f32 to vector<1x1xf32>
      %get3A_165 = arith.constant 0 : index
      %get3A_166 = arith.constant 0 : index
      %get3A_167 = vector.load %arg18[%get3A_165, %get3A_166] : memref<1x1xf32, #tpu.memory_space<vmem>>, vector<1x1xf32>
      %select_n3A_168 = arith.select %eq3A_162, %broadcast_in_dim3A_164, %get3A_167 : vector<1x1xf32>
      %add3A_169 = arith.addf %select_n3A_168, %broadcast_in_dim3A_160 : vector<1x1xf32>
      %swap3A_170 = arith.constant 0 : index
      %swap3A_171 = arith.constant 0 : index
      %swap3A_172 = vector.load %arg18[%swap3A_170, %swap3A_171] : memref<1x1xf32, #tpu.memory_space<vmem>>, vector<1x1xf32>
      tpu.vector_store %arg18[%swap3A_170, %swap3A_171], %add3A_169 {strides = array<i32>} : memref<1x1xf32, #tpu.memory_space<vmem>>, vector<1x1xf32>,
      %eq3A_173 = arith.constant 7 : i32
      %eq3A_174 = arith.cmpi eq, %arg0, %eq3A_173 : i32
      %convert_element_type3A_175 = arith.extui %eq3A_174 : i1 to i32
      %cond3A_176 = arith.constant 0 : i32
      %cond3A_177 = arith.cmpi ne, %convert_element_type3A_175, %cond3A_176 : i32
      scf.if %cond3A_177 {
        %div3A_178 = arith.constant 4.096000e+03 : f32
        %div3A_179 = vector.broadcast %div3A_178 : f32 to vector<1x1xf32>
        %div3A_180 = arith.divf %add3A_143, %div3A_179 : vector<1x1xf32>
        %swap3A_181 = arith.constant 0 : index
        %swap3A_182 = arith.constant 0 : index
        %swap3A_183 = vector.load %arg9[%swap3A_181, %swap3A_182] : memref<1x1xf32, #tpu.memory_space<vmem>>, vector<1x1xf32>
        tpu.vector_store %arg9[%swap3A_181, %swap3A_182], %div3A_180 {strides = array<i32>} : memref<1x1xf32, #tpu.memory_space<vmem>>, vector<1x1xf32>,
        %div3A_184 = arith.constant 0x49800000 : f32
        %div3A_185 = vector.broadcast %div3A_184 : f32 to vector<1x1xf32>
        %div3A_186 = arith.divf %add3A_169, %div3A_185 : vector<1x1xf32>
        %swap3A_187 = arith.constant 0 : index
        %swap3A_188 = arith.constant 0 : index
        %swap3A_189 = vector.load %arg10[%swap3A_187, %swap3A_188] : memref<1x1xf32, #tpu.memory_space<vmem>>, vector<1x1xf32>
        tpu.vector_store %arg10[%swap3A_187, %swap3A_188], %div3A_186 {strides = array<i32>} : memref<1x1xf32, #tpu.memory_space<vmem>>, vector<1x1xf32>,
      } else {
      }
    } else {
    }
    return
  }
  func.func @transform_0(%arg0: i32, %arg1: i32) -> (i32, i32) {
    %c0_i32 = arith.constant 0 : i32
    %c0_i32_0 = arith.constant 0 : i32
    return %arg0, %c0_i32 : i32, i32
  }
  func.func @transform_1(%arg0: i32, %arg1: i32) -> (i32, i32) {
    %c0_i32 = arith.constant 0 : i32
    %c0_i32_0 = arith.constant 0 : i32
    return %arg0, %c0_i32 : i32, i32
  }
  func.func @transform_2(%arg0: i32, %arg1: i32) -> (i32, i32) {
    %c0_i32 = arith.constant 0 : i32
    %c0_i32_0 = arith.constant 0 : i32
    return %arg1, %c0_i32 : i32, i32
  }
  func.func @transform_3(%arg0: i32, %arg1: i32) -> (i32, i32) {
    %c0_i32 = arith.constant 0 : i32
    %c0_i32_0 = arith.constant 0 : i32
    return %arg0, %c0_i32 : i32, i32
  }
  func.func @transform_4(%arg0: i32, %arg1: i32) -> (i32, i32, i32) {
    %c0_i32 = arith.constant 0 : i32
    %c0_i32_0 = arith.constant 0 : i32
    %c0_i32_1 = arith.constant 0 : i32
    return %arg1, %c0_i32, %c0_i32_0 : i32, i32, i32
  }
  func.func @transform_5(%arg0: i32, %arg1: i32) -> (i32, i32, i32) {
    %c0_i32 = arith.constant 0 : i32
    %c0_i32_0 = arith.constant 0 : i32
    %c0_i32_1 = arith.constant 0 : i32
    return %arg1, %c0_i32, %c0_i32_0 : i32, i32, i32
  }
  func.func @transform_6(%arg0: i32, %arg1: i32) -> (i32, i32, i32) {
    %c0_i32 = arith.constant 0 : i32
    %c0_i32_0 = arith.constant 0 : i32
    %c0_i32_1 = arith.constant 0 : i32
    return %arg0, %c0_i32, %c0_i32_0 : i32, i32, i32
  }
  func.func @transform_7(%arg0: i32, %arg1: i32) -> (i32, i32) {
    %c0_i32 = arith.constant 0 : i32
    %c0_i32_0 = arith.constant 0 : i32
    %c0_i32_1 = arith.constant 0 : i32
    return %c0_i32, %c0_i32_0 : i32, i32
  }
  func.func @transform_8(%arg0: i32, %arg1: i32) -> (i32, i32) {
    %c0_i32 = arith.constant 0 : i32
    %c0_i32_0 = arith.constant 0 : i32
    %c0_i32_1 = arith.constant 0 : i32
    return %c0_i32, %c0_i32_0 : i32, i32
  }
}

</mosaic_0001>

<sc_bundles>
// kernel: kernel.4.cloned.1.call-start
scs
__scs_entry_jumppad:
0x0: {  	(pc) =	sbr.rel $0x88, $3  }
0x1: {  	(tag) =	ssettag $0x0;
	lr =	simm.s32 $0x1  }
0x2: {  	[smem:$0x3F9E] =	sst lr;
	_ =	strace $0xD0000000  }
0x3: {  	_ = 	snop  }
0x4: {  	_ = 	snop  }
0x5: {  	_ = 	snop  }
0x6: {  	_ = 	snop  }
0x7: {  	_ = 	snop  }
__scs_overlays_trampoline_lowered:
0x8: {  	[smem:$0x3FAD] =	sst s0  }
0x9: {  	[smem:$0x3FAE] =	sst s1  }
0xa: {  	[smem:$0x3FAF] =	sst s2  }
0xb: {  	[smem:$0x3FB0] =	sst s3  }
0xc: {  	[smem:$0x3FB1] =	sst s4  }
0xd: {  	[smem:$0x3FB2] =	sst s5  }
0xe: {  	[smem:$0x3FB3] =	sst s6  }
0xf: {  	[smem:$0x3FB4] =	sst s7  }
0x10: {  	[smem:$0x3FB5] =	sst s8  }
0x11: {  	[smem:$0x3FB6] =	sst s9;
	s0 =	simm.s32 @!p0 $0x0  }
0x12: {  	s1 =	sld [smem:$0x3F9C];
	s0 =	simm.s32 @p0 $0x1  }
0x13: {  	[smem:$0x3FB7] =	sst s0;
	s0 =	simm.s32 @!p1 $0x0  }
0x14: {  	s2 =	sld [smem:$0x3F9B];
	s0 =	simm.s32 @p1 $0x1  }
0x15: {  	[smem:$0x3FB8] =	sst s0;
	s0 =	simm.s32 @!p2 $0x0  }
0x16: {  	s3 =	sld [smem:$0x3FDB];
	s0 =	simm.s32 @p2 $0x1  }
0x17: {  	s4 =	simm.s32 $0x1BF5;
	[smem:$0x3FBA] =	sst s0  }
0x18: {  	s0 =	sld [smem:$0x3F9D];
	_ =	swait.ge [sflag:s4], $0x0  }
0x19: {  	s7 =	sld [smem:$0x3F9E]  }
0x1a: {  	s8 =	sadd.s32 $0xFFFFE003, lr  }
0x1b: {  	s9 =	sadd.s32 $0xFFFFFEF7, lr;
	s5 =	simm.s32 $0xFFFFFFFF;
	p2 =	slt.u32 s8, $0xFFFFF086  }
0x1c: {  	p1 =	slt.u32 s9, $0xF7A;
	s5 =	simm.s32 @!p2 $0x0  }
0x1d: {  	s5 =	simm.s32 @p1 $0x1;
	p0 =	seq.s32 s7, s2  }
0x1e: {  	s7 =	smul.u32 @!p0 $0xF7A, s2;
	p2 =	seq.s32 @!p0 s5, $0x0  }
0x1f: {  	s9 =	smul.u32 $0xF7A, s1;
	s8 =	simm.s32 @!p0 $0x1BF5;
	p2 =	por !p2, p0  }
0x20: {  	[sflag:s8] =	ssyncset.s32 @!p0 $0xFFFFF086;
	s6 =	sadd.s32 @!p0 s3, s7;
	s7 =	simm.s32 @!p0 $0x108  }
0x21: {  	s3 =	sadd.s32 s3, s9;
	s6 =	sadd.s32 @!p0 $0x88, s6;
	s7 =	simm.s32 @p2 $0x1082  }
0x22: {  	[simem:s7], [sflag:s8] =	dma.local @!p0 [hbm:s6], $0xF7A  }
0x23: {  	s9 =	sor.u32 $0xD0000000, s2;
	s6 =	simm.s32 $0x108;
	_ =	swait.ge @!p0 [sflag:s8], $0x0  }
0x24: {  	s3 =	sadd.s32 $0x88, s3;
	s6 =	simm.s32 @!p1 $0x1082;
	[sflag:s4] =	ssyncset.s32 $0xFFFFF086  }
0x25: {  	[simem:s6], [sflag:s4] =	dma.local [hbm:s3], $0xF7A  }
0x26: {  	[smem:$0x3F9E] =	sst s1;
	(tag) =	ssettag s2;
	_ =	strace s9  }
0x27: {  	s1 =	sld [smem:$0x3FAE]  }
0x28: {  	s2 =	sld [smem:$0x3FAF]  }
0x29: {  	s4 =	sld [smem:$0x3FB1]  }
0x2a: {  	p0 =	seq.s32 s5, $0x0;
	s5 =	sld [smem:$0x3FB2]  }
0x2b: {  	s6 =	sld [smem:$0x3FB3]  }
0x2c: {  	s7 =	sld [smem:$0x3FB4]  }
0x2d: {  	s3 =	simm.s32 $0x108;
	s8 =	sld [smem:$0x3FB5]  }
0x2e: {  	s3 =	simm.s32 @!p0 $0x1082;
	s9 =	sld [smem:$0x3FB6]  }
0x2f: {  	lr =	sadd.s32 s0, s3;
	s0 =	sld [smem:$0x3FAD]  }
0x30: {  	s3 =	sld [smem:$0x3FB0]  }
0x31: {  	[smem:$0x3FB9] =	sst s10  }
0x32: {  	s10 =	sld [smem:$0x3FB7];
	_ =	sdelay $0x3  }
0x33: {  	p0 =	seq.s32 s10, $0x1;
	s10 =	sld [smem:$0x3FB9];
	_ =	sdelay $0x3  }
0x34: {  	[smem:$0x3FB9] =	sst s10  }
0x35: {  	s10 =	sld [smem:$0x3FB8];
	_ =	sdelay $0x3  }
0x36: {  	p1 =	seq.s32 s10, $0x1;
	s10 =	sld [smem:$0x3FB9];
	_ =	sdelay $0x3  }
0x37: {  	[smem:$0x3FB9] =	sst s10  }
0x38: {  	s10 =	sld [smem:$0x3FBA]  }
0x39: {  	_ = 	snop;
	(pc) =	sbr.ind lr, $3  }
0x3a: {  	_ = 	snop  }
0x3b: {  	_ = 	snop  }
0x3c: {  	p2 =	seq.s32 s10, $0x1;
	s10 =	sld [smem:$0x3FB9]  }
0x3d: {  	_ =	shalt  }
0x3e: {  	_ =	shalt  }
0x3f: {  	_ =	shalt  }
0x40: {  	_ =	shalt  }
0x41: {  	_ =	shalt  }
0x42: {  	_ =	shalt  }
0x43: {  	_ =	shalt  }
0x44: {  	_ =	shalt  }
0x45: {  	_ =	shalt  }
0x46: {  	_ =	shalt  }
0x47: {  	_ =	shalt  }
0x48: {  	_ =	shalt  }
0x49: {  	_ =	shalt  }
0x4a: {  	_ =	shalt  }
0x4b: {  	_ =	shalt  }
0x4c: {  	_ =	shalt  }
0x4d: {  	_ =	shalt  }
0x4e: {  	_ =	shalt  }
0x4f: {  	_ =	shalt  }
0x50: {  	_ =	shalt  }
0x51: {  	_ =	shalt  }
0x52: {  	_ =	shalt  }
0x53: {  	_ =	shalt  }
0x54: {  	_ =	shalt  }
0x55: {  	_ =	shalt  }
0x56: {  	_ =	shalt  }
0x57: {  	_ =	shalt  }
0x58: {  	_ =	shalt  }
0x59: {  	_ =	shalt  }
0x5a: {  	_ =	shalt  }
0x5b: {  	_ =	shalt  }
0x5c: {  	_ =	shalt  }
0x5d: {  	_ =	shalt  }
0x5e: {  	_ =	shalt  }
0x5f: {  	_ =	shalt  }
0x60: {  	_ =	shalt  }
0x61: {  	_ =	shalt  }
0x62: {  	_ =	shalt  }
0x63: {  	_ =	shalt  }
0x64: {  	_ =	shalt  }
0x65: {  	_ =	shalt  }
0x66: {  	_ =	shalt  }
0x67: {  	_ =	shalt  }
0x68: {  	_ =	shalt  }
0x69: {  	_ =	shalt  }
0x6a: {  	_ =	shalt  }
0x6b: {  	_ =	shalt  }
0x6c: {  	_ =	shalt  }
0x6d: {  	_ =	shalt  }
0x6e: {  	_ =	shalt  }
0x6f: {  	_ =	shalt  }
0x70: {  	_ =	shalt  }
0x71: {  	_ =	shalt  }
0x72: {  	_ =	shalt  }
0x73: {  	_ =	shalt  }
0x74: {  	_ =	shalt  }
0x75: {  	_ =	shalt  }
0x76: {  	_ =	shalt  }
0x77: {  	_ =	shalt  }
0x78: {  	_ =	shalt  }
0x79: {  	_ =	shalt  }
0x7a: {  	_ =	shalt  }
0x7b: {  	_ =	shalt  }
0x7c: {  	_ =	shalt  }
0x7d: {  	_ =	shalt  }
0x7e: {  	_ =	shalt  }
0x7f: {  	_ =	shalt  }
0x80: {  	_ =	shalt  }
0x81: {  	_ =	shalt  }
0x82: {  	_ =	shalt  }
0x83: {  	_ =	shalt  }
0x84: {  	_ =	shalt  }
0x85: {  	_ =	shalt  }
0x86: {  	_ =	shalt  }
0x87: {  	_ =	shalt  }
.Lfunc_end0:
.L_simem_size_0:
called_computation_lowered:
.L_overlay_start_0:
0x88: {  	s2 =	sld [smem:$0x3FD9]  }
0x89: {  	s3 =	sld [smem:$0x3FFE];
	_ =	sdelay $0x1  }
0x8a: {  	s1 =	srdreg.scid  }
0x8b: {  	s0 =	sand.u32 $0x1, s1  }
0x8c: {  	s15 =	sshll.u32 s0, $0xA;
	s2 =	sadd.s32 s3, s2  }
0x8d: {  	s2 =	sadd.s32 s2, s15  }
0x8e: {  	[smem:$0x3FC5] =	sst s2  }
0x8f: {  	_ = 	snop  }
0x90: {  	s2 =	sld [smem:$0x3FD0];
	_ =	sdelay $0x2  }
0x91: {  	s4 =	simm.s32 $0xA;
	s5 =	simm.s32 $0x10;
	s16 =	sld [smem:$0x3FC7]  }
0x92: {  	[smem:s5], [sflag:s4] =	dma.local [hbm:s2], $0x1  }
0x93: {  	_ =	swait.eq [sflag:s4], $0x1  }
0x94: {  	[sflag:s4] =	ssyncset.done $0x0  }
0x95: {  	s17 =	sld [smem:$0x10];
	[sflag:s4] =	ssyncadd.s32 $0xFFFFFFFF  }
0x96: {  	s18 =	sld [smem:$0x11];
	(tm) =	ssettm $0x1  }
0x97: {  	s19 =	sld [smem:$0x3FFB];
	_ =	sdelay $0x3  }
0x98: {  	_ =	strace s19  }
0x99: {  	s5 =	sld [smem:$0x3FFC];
	_ =	sdelay $0x3  }
0x9a: {  	_ =	strace s5  }
0x9b: {  	s5 =	sld [smem:$0x3FFD];
	_ =	sdelay $0x3  }
0x9c: {  	_ =	strace s5  }
0x9d: {  	_ =	strace $0x8FFFFFFF  }
0x9e: {  	s20 =	sld [smem:$0x3FDB];
	_ =	sdelay $0x1  }
0x9f: {  	s6 =	simm.s32 $_scs_section_size  }
0xa0: {  	s7 =	simm.s32 $_size__tile_overlayer_lowered;
	s8 =	simm.s32 $_tile_overlayer_lowered  }
0xa1: {  	s23 =	simm.s32 $0x1BFF;
	s22 =	sshll.u32 s8, $0x1;
	s5 =	sadd.s32 s6, s20  }
0xa2: {  	s9 =	simm.s32 $0x0;
	s21 =	sshll.u32 s7, $0x1;
	s7 =	sadd.s32 s22, s5  }
0xa3: {  	[timem:s9], [sflag:s23] =	dma.local [hbm:s7], s21  }
0xa4: {  	_ =	swait.ge [sflag:s23], s21  }
0xa5: {  	s6 =	ssub.s32 $0x0, s21;
	[sflag:s23] =	ssyncset.done $0x0  }
0xa6: {  	[sflag:s23] =	ssyncadd.s32 s6;
	_ =	sdelay $0x1  }
0xa7: {  	s24 =	simm.s32 $0x1B8B  }
0xa8: {  	_ =	swait.ge [sflag:s24], $0x1  }
0xa9: {  	[sflag:s24] =	ssyncset.done $0x0  }
0xaa: {  	s25 =	simm.s32 $0x1B8E;
	[sflag:s24] =	ssyncadd.s32 $0xFFFFFFFF  }
0xab: {  	s26 =	simm.s32 $execute0_lowered;
	[smem:$0x3FD2] =	sst s25  }
0xac: {  	s6 =	sshll.u32 s26, $0x1;
	_ =	strace $0x80000046;
	[dreg:$0x1] =	wrdreg $0xFFFFFFFF  }
0xad: {  	s28 =	simm.s32 $_size_execute0_lowered;
	s5 =	sadd.s32 s5, s6;
	[dreg:$0x0] =	wrdreg $0x0  }
0xae: {  	s6 =	sshll.u32 s28, $0x1;
	[dreg:$0x2] =	wrdreg s5  }
0xaf: {  	[dreg:$0x3] =	wrdreg s6  }
0xb0: {  	[dreg:$0x4] =	wrdreg $0xC0  }
0xb1: {  	_ =	task [dreg:s9], $0x5FFFF  }
0xb2: {  	[dreg:$0x1] =	wrdreg $0xFFFFFFFF  }
0xb3: {  	[dreg:$0x0] =	wrdreg $0x60  }
0xb4: {  	[dreg:$0x2] =	wrdreg s16  }
0xb5: {  	[dreg:$0x3] =	wrdreg s18  }
0xb6: {  	[dreg:$0x4] =	wrdreg s17  }
0xb7: {  	[dreg:$0x5] =	wrdreg $0x9  }
0xb8: {  	_ =	task.clear_ibuf [dreg:s9], $0x6FFFF;
	_ =	strace $0x90000046  }
0xb9: {  	s29 =	simm.s32 $0x9;
	_ =	strace $0x80000048  }
0xba: {  	_ =	swait.ge [sflag:s29], $0x1  }
0xbb: {  	[sflag:s29] =	ssyncadd.s32 $0xFFFFFFFF  }
0xbc: {  	_ =	strace $0x90000048  }
0xbd: {  	_ =	sfence  }
0xbe: {  	s30 =	sld [smem:$0x0];
	_ =	sdelay $0x2  }
0xbf: {  	s31 =	sshll.u32 s1, $0xD;
	s1 =	sshrl.u32 s1, $0x2  }
0xc0: {  	s3 =	sand.u32 $0x4000, s31;
	s1 =	sadd.s32 s1, s30  }
0xc1: {  	s0 =	sor.u32 s3, s0;
	s1 =	sshll.u32 s1, $0x11  }
0xc2: {  	s0 =	sor.u32 s1, s0  }
0xc3: {  	s0 =	sadd.s32 $0x8F2B, s0  }
0xc4: {  	[sflag:s0] =	ssyncadd.remote.s32 $0x1  }
0xc5: {  	_ =	sfence.sel $0xFFFF  }
0xc6: {  	[dreg:$0x0] =	wrdreg $0xFFFFFFFF;
	(pc) =	sbr.abs _section_cstart, $3  }
0xc7: {  	[dreg:$0x1] =	wrdreg $0xFFFFFFFF  }
0xc8: {  	_ =	task.clear_ibuf [dreg:s9], $0x2FFFF;
	_ =	strace $0x9FFFFFFF  }
0xc9: {  	(tm) =	ssettm $0x7FFFFFFF  }
tec
execute0_lowered:
.L_overlay_start_1:
0x0: {  	(tag) =	ssettag $0x1  }
0x1: {  	s1 =	rddreg [dreg:$0x0]  }
0x2: {  	s4 =	rddreg [dreg:$0x1]  }
0x3: {  	s5 =	rddreg [dreg:$0x2]  }
0x4: {  	s0 =	rddreg [dreg:$0x3];
	s3 =	simm.s32 $0x0;
	s6 =	srdreg.scid  }
0x5: {  	s2 =	stileid.u32;
	s10 =	simm.s32 $0x1080;
	s11 =	simm.s32 $0x1880  }
0x6: {  	s12 =	simm.s32 $0x2080;
	s13 =	simm.s32 $0x2880;
	s14 =	simm.s32 $0x3080  }
0x7: {  	s15 =	simm.s32 $0x3880;
	s16 =	simm.s32 $0x4080;
	s17 =	simm.s32 $0x4880  }
0x8: {  	s18 =	simm.s32 $0x5080;
	s19 =	simm.s32 $0x5880;
	s20 =	simm.s32 $0x6080  }
0x9: {  	s21 =	simm.s32 $0x6880;
	s22 =	simm.s32 $0x7080;
	s23 =	simm.s32 $0x7880  }
0xa: {  	s24 =	simm.s32 $0x1;
	[smem:$0x7FF] =	sst s3;
	s6 =	sand.u32 $0x1, s6  }
0xb: {  	s8 =	sshll.u32 s2, $0x8;
	s7 =	ssub.s32 $0x2, s6;
	s6 =	sshll.u32 s6, $0x7  }
0xc: {  	_ =	strace $0x80000047;
	s9 =	sshrl.u32 s7, $0x1;
	s6 =	sor.u32 s6, s8  }
0xd: {  	v2 =	vlaneseq.u32;
	s7 =	ssub.s32 s7, s9;
	s8 =	sshrl.u32 s6, $0x3;
	s6 =	sshll.u32 s6, $0x5  }
0xe: {  	vm0 =	vmmov $0xffff;
	v1 =	vshrl.u32 v2, $0x3;
	s9 =	simm.s32 $0x880;
	s4 =	sadd.s32 s4, s8;
	s5 =	sadd.s32 s5, s6  }
0xf: {  	v0 =	vand.u32 $0x7, v2;
	v2 =	vor.u32 $0x8, v2;
	v1 =	vmul.u32 $0x8, v1;
	s6 =	smax.u32 s7, $0x1;
	s7 =	simm.s32 $0x2;
	s8 =	simm.s32 $0x80  }
.LBB2_1:
0x10: {  	[tilespmem:s3], [sflag:$0x2] =	stream.linear.gather [hbm4b:s4+s3], $0x80, $0x38;
	[tilespmem:$0x8080] =	vst v63  }
0x11: {  	_ =	swait.ge [sflag:s7], $0x80  }
0x12: {  	[sflag:s7] =	ssyncset.done $0x0  }
0x13: {  	[sflag:s7] =	ssyncadd.s32 $0xFFFFFF80  }
0x14: {  	v3 =	vld [tilespmem:$0x0];
	_ =	sdelay $0x4  }
0x15: {  	v4 =	vshll.u32 v3, $0x1  }
0x16: {  	v3 =	vand.u32 $0x7, v3;
	v4 =	vand.u32 $0xFFFFFFF0, v4  }
0x17: {  	v3 =	vor.u32 v3, v4  }
0x18: {  	v4 =	vperm.xlane v3, v0;
	_ =	sdelay $0x1  }
0x19: {  	v3 =	vperm.xlane v3, v2;
	v4 =	vadd.s32 v1, v4;
	_ =	sdelay $0x1  }
0x1a: {  	v3 =	vadd.s32 v1, v3;
	_ =	sdelay $0x2  }
0x1b: {  	[tilespmem:s8], [sflag:$0x1] =	stream.indirect_vreg.gather [hbm4b:s1+s3], $0x80, v4, vm0, $0xb8;
	[tilespmem:$0x8080] =	vst v63  }
0x1c: {  	_ = 	snop  }
0x1d: {  	[tilespmem:s9], [sflag:$0x1] =	stream.indirect_vreg.gather [hbm4b:s1+s3], $0x80, v3, vm0, $0xb8;
	[tilespmem:$0x8080] =	vst v63  }
0x1e: {  	v3 =	vld [tilespmem:$0x10];
	_ =	sdelay $0x4  }
0x1f: {  	v57 =	vshll.u32 v3, $0x1  }
0x20: {  	v3 =	vand.u32 $0x7, v3;
	v4 =	vand.u32 $0xFFFFFFF0, v57  }
0x21: {  	v3 =	vor.u32 v3, v4  }
0x22: {  	v4 =	vperm.xlane v3, v0;
	_ =	sdelay $0x1  }
0x23: {  	v3 =	vperm.xlane v3, v2;
	v4 =	vadd.s32 v1, v4;
	_ =	sdelay $0x1  }
0x24: {  	v3 =	vadd.s32 v1, v3;
	_ =	sdelay $0x2  }
0x25: {  	[tilespmem:s10], [sflag:$0x1] =	stream.indirect_vreg.gather [hbm4b:s1+s3], $0x80, v4, vm0, $0xb8;
	[tilespmem:$0x8080] =	vst v63  }
0x26: {  	_ = 	snop  }
0x27: {  	[tilespmem:s11], [sflag:$0x1] =	stream.indirect_vreg.gather [hbm4b:s1+s3], $0x80, v3, vm0, $0xb8;
	[tilespmem:$0x8080] =	vst v63  }
0x28: {  	v3 =	vld [tilespmem:$0x20];
	_ =	sdelay $0x4  }
0x29: {  	v58 =	vshll.u32 v3, $0x1  }
0x2a: {  	v3 =	vand.u32 $0x7, v3;
	v4 =	vand.u32 $0xFFFFFFF0, v58  }
0x2b: {  	v3 =	vor.u32 v3, v4  }
0x2c: {  	v4 =	vperm.xlane v3, v0;
	_ =	sdelay $0x1  }
0x2d: {  	v3 =	vperm.xlane v3, v2;
	v4 =	vadd.s32 v1, v4;
	_ =	sdelay $0x1  }
0x2e: {  	v3 =	vadd.s32 v1, v3;
	_ =	sdelay $0x2  }
0x2f: {  	[tilespmem:s12], [sflag:$0x1] =	stream.indirect_vreg.gather [hbm4b:s1+s3], $0x80, v4, vm0, $0xb8;
	[tilespmem:$0x8080] =	vst v63  }
0x30: {  	_ = 	snop  }
0x31: {  	[tilespmem:s13], [sflag:$0x1] =	stream.indirect_vreg.gather [hbm4b:s1+s3], $0x80, v3, vm0, $0xb8;
	[tilespmem:$0x8080] =	vst v63  }
0x32: {  	v3 =	vld [tilespmem:$0x30];
	_ =	sdelay $0x4  }
0x33: {  	v59 =	vshll.u32 v3, $0x1  }
0x34: {  	v3 =	vand.u32 $0x7, v3;
	v4 =	vand.u32 $0xFFFFFFF0, v59  }
0x35: {  	v3 =	vor.u32 v3, v4  }
0x36: {  	v4 =	vperm.xlane v3, v0;
	_ =	sdelay $0x1  }
0x37: {  	v3 =	vperm.xlane v3, v2;
	v4 =	vadd.s32 v1, v4;
	_ =	sdelay $0x1  }
0x38: {  	v3 =	vadd.s32 v1, v3;
	_ =	sdelay $0x2  }
0x39: {  	[tilespmem:s14], [sflag:$0x1] =	stream.indirect_vreg.gather [hbm4b:s1+s3], $0x80, v4, vm0, $0xb8;
	[tilespmem:$0x8080] =	vst v63  }
0x3a: {  	_ = 	snop  }
0x3b: {  	[tilespmem:s15], [sflag:$0x1] =	stream.indirect_vreg.gather [hbm4b:s1+s3], $0x80, v3, vm0, $0xb8;
	[tilespmem:$0x8080] =	vst v63  }
0x3c: {  	v3 =	vld [tilespmem:$0x40];
	_ =	sdelay $0x4  }
0x3d: {  	v60 =	vshll.u32 v3, $0x1  }
0x3e: {  	v3 =	vand.u32 $0x7, v3;
	v4 =	vand.u32 $0xFFFFFFF0, v60  }
0x3f: {  	v3 =	vor.u32 v3, v4  }
0x40: {  	v4 =	vperm.xlane v3, v0;
	_ =	sdelay $0x1  }
0x41: {  	v3 =	vperm.xlane v3, v2;
	v4 =	vadd.s32 v1, v4;
	_ =	sdelay $0x1  }
0x42: {  	v3 =	vadd.s32 v1, v3;
	_ =	sdelay $0x2  }
0x43: {  	[tilespmem:s16], [sflag:$0x1] =	stream.indirect_vreg.gather [hbm4b:s1+s3], $0x80, v4, vm0, $0xb8;
	[tilespmem:$0x8080] =	vst v63  }
0x44: {  	_ = 	snop  }
0x45: {  	[tilespmem:s17], [sflag:$0x1] =	stream.indirect_vreg.gather [hbm4b:s1+s3], $0x80, v3, vm0, $0xb8;
	[tilespmem:$0x8080] =	vst v63  }
0x46: {  	v3 =	vld [tilespmem:$0x50];
	_ =	sdelay $0x4  }
0x47: {  	v61 =	vshll.u32 v3, $0x1  }
0x48: {  	v3 =	vand.u32 $0x7, v3;
	v4 =	vand.u32 $0xFFFFFFF0, v61  }
0x49: {  	v3 =	vor.u32 v3, v4  }
0x4a: {  	v4 =	vperm.xlane v3, v0;
	_ =	sdelay $0x1  }
0x4b: {  	v3 =	vperm.xlane v3, v2;
	v4 =	vadd.s32 v1, v4;
	_ =	sdelay $0x1  }
0x4c: {  	v3 =	vadd.s32 v1, v3;
	_ =	sdelay $0x2  }
0x4d: {  	[tilespmem:s18], [sflag:$0x1] =	stream.indirect_vreg.gather [hbm4b:s1+s3], $0x80, v4, vm0, $0xb8;
	[tilespmem:$0x8080] =	vst v63  }
0x4e: {  	_ = 	snop  }
0x4f: {  	[tilespmem:s19], [sflag:$0x1] =	stream.indirect_vreg.gather [hbm4b:s1+s3], $0x80, v3, vm0, $0xb8;
	[tilespmem:$0x8080] =	vst v63  }
0x50: {  	v3 =	vld [tilespmem:$0x60];
	_ =	sdelay $0x4  }
0x51: {  	v62 =	vshll.u32 v3, $0x1  }
0x52: {  	v3 =	vand.u32 $0x7, v3;
	v4 =	vand.u32 $0xFFFFFFF0, v62  }
0x53: {  	v3 =	vor.u32 v3, v4  }
0x54: {  	v4 =	vperm.xlane v3, v0;
	_ =	sdelay $0x1  }
0x55: {  	v3 =	vperm.xlane v3, v2;
	v4 =	vadd.s32 v1, v4;
	_ =	sdelay $0x1  }
0x56: {  	v3 =	vadd.s32 v1, v3;
	_ =	sdelay $0x2  }
0x57: {  	[tilespmem:s20], [sflag:$0x1] =	stream.indirect_vreg.gather [hbm4b:s1+s3], $0x80, v4, vm0, $0xb8;
	[tilespmem:$0x8080] =	vst v63  }
0x58: {  	_ = 	snop  }
0x59: {  	[tilespmem:s21], [sflag:$0x1] =	stream.indirect_vreg.gather [hbm4b:s1+s3], $0x80, v3, vm0, $0xb8;
	[tilespmem:$0x8080] =	vst v63  }
0x5a: {  	v3 =	vld [tilespmem:$0x70];
	_ =	sdelay $0x4  }
0x5b: {  	v63 =	vshll.u32 v3, $0x1  }
0x5c: {  	v3 =	vand.u32 $0x7, v3;
	v4 =	vand.u32 $0xFFFFFFF0, v63  }
0x5d: {  	v3 =	vor.u32 v3, v4  }
0x5e: {  	v4 =	vperm.xlane v3, v0;
	_ =	sdelay $0x1  }
0x5f: {  	v3 =	vperm.xlane v3, v2;
	v4 =	vadd.s32 v1, v4;
	_ =	sdelay $0x1  }
0x60: {  	v3 =	vadd.s32 v1, v3;
	_ =	sdelay $0x2  }
0x61: {  	[tilespmem:s22], [sflag:$0x1] =	stream.indirect_vreg.gather [hbm4b:s1+s3], $0x80, v4, vm0, $0xb8;
	[tilespmem:$0x8080] =	vst v63  }
0x62: {  	_ = 	snop  }
0x63: {  	[tilespmem:s23], [sflag:$0x1] =	stream.indirect_vreg.gather [hbm4b:s1+s3], $0x80, v3, vm0, $0xb8;
	[tilespmem:$0x8080] =	vst v63  }
0x64: {  	_ =	swait.ge [sflag:s24], $0x8000  }
0x65: {  	p0 =	sne.s32 s6, $0x1;
	[sflag:s24] =	ssyncset.done $0x0  }
.Ltmp0:
0x66: {  	[sflag:s24] =	ssyncadd.s32 $0xFFFF8000;
	(pc) =	sbr.rel @p0 .LBB2_1-.Ltmp0, $4  }
0x67: {  	[hbm4b:s5+s3] =	stream.linear.scatter [tilespmem:s8], [sflag:$0x2], $0x8000, $0x38;
	[tilespmem:$0x8080] =	vst v63  }
0x68: {  	_ =	swait.ge [sflag:s7], $0x8000  }
0x69: {  	[sflag:s7] =	ssyncset.done $0x0  }
0x6a: {  	s6 =	sadd.s32 $0xFFFFFFFF, s6;
	[sflag:s7] =	ssyncadd.s32 $0xFFFF8000  }
0x6b: {  	_ =	sfence.sel $0x180000  }
0x6c: {  	[bflag:$0x0] =	sbarrier.arrive $0xFFFF  }
0x6d: {  	p0 =	sne.s32 s2, $0x0;
	_ =	strace $0x90000047  }
0x6e: {  	s0 =	sadd.s32 @!p0 $0x100000, s0;
	[bflag:$0x2] =	sbarrier.arrive $0xFFFF  }
0x6f: {  	[sflag:s0] =	ssyncadd.tile.s32 @!p0 $0x1;
	_ =	shalt  }
.Lfunc_end2:
_tile_overlayer_lowered:
.L_overlay_start_2:
0x70: {  	(tag) =	ssettag $0x2  }
0x71: {  	s0 =	rddreg [dreg:$0x0];
	s2 =	stileid.u32  }
0x72: {  	s1 =	rddreg [dreg:$0x1];
	p0 =	sne.s32 s2, $0x0  }
0x73: {  	s3 =	rddreg [dreg:$0x2];
	[bflag:$0x3] =	sbarrier.arrive $0xFFFF;
	s2 =	simm.s32 @!p0 $0x1C02  }
0x74: {  	[timem:s3], [sflag:s2] =	dma.local @!p0 [hbm:s0], s1  }
0x75: {  	s0 =	simm.s32 @!p0 $0x2  }
0x76: {  	_ =	swait.ge @!p0 [sflag:s0], s1  }
0x77: {  	s1 =	ssub.s32 @!p0 $0x0, s1;
	[sflag:s0] =	ssyncset.done @!p0 $0x0  }
0x78: {  	[sflag:s0] =	ssyncadd.s32 @!p0 s1  }
0x79: {  	[bflag:$0x3] =	sbarrier.arrive $0xFFFF  }
0x7a: {  	_ =	shalt  }

</sc_bundles>
